<compile_context>
chip_gen: v7x
topology: tpu7x:2x2x1
jax: 0.10.2.dev20260603
libtpu: 0.0.44.dev20260713+nightly
codegen_flags: <defaults>
</compile_context>

<pallas_src>
import functools

import jax
import jax.numpy as jnp
from jax import lax
from jax.experimental import pallas as pl
from jax.experimental.pallas import tpu as pltpu
from jax.experimental.pallas import tpu_sc as plsc

_B = 1024
_L = 200
_EMB = 128
_CHUNK = 128
_CAT_ROWS = _B * 2 * _L
_BE_ROWS = _B * _L
_CAT_CHUNKS = _CAT_ROWS // _CHUNK
_BE_CHUNKS = _BE_ROWS // _CHUNK
_NC = 2
_NS = 16
_NW = _NC * _NS
_CAT_PER_W = _CAT_CHUNKS // _NW
_BE_PER_W = _BE_CHUNKS // _NW
_TAB = 256
_OFF_PITCH = 64
_OFF_DUR = 192


@functools.lru_cache(maxsize=1)
def _make_lookup():
  mesh = plsc.VectorSubcoreMesh(
      core_axis_name="c", subcore_axis_name="s", num_cores=_NC)

  @functools.partial(
      pl.kernel,
      mesh=mesh,
      out_type=[
          jax.ShapeDtypeStruct((_CAT_ROWS, _EMB), jnp.float32),
          jax.ShapeDtypeStruct((_BE_ROWS, _EMB), jnp.float32),
      ],
      scratch_types=[
          pltpu.VMEM((_CAT_PER_W, _CHUNK), jnp.int32),
          pltpu.VMEM((_BE_PER_W, _CHUNK), jnp.int32),
          pltpu.VMEM((_CHUNK, _EMB), jnp.float32),
          pltpu.VMEM((_CHUNK, _EMB), jnp.float32),
          pltpu.VMEM_SHARED((_TAB, _EMB), jnp.float32),
          pltpu.SemaphoreType.DMA,
          pltpu.SemaphoreType.DMA,
      ],
  )
  def lookup(pitch_hbm, dur_hbm, beat_hbm, idxcat_hbm, idxbe_hbm,
             outcat_hbm, outbe_hbm,
             idxc_v, idxb_v, buf0, buf1, table_sp, sem0, sem1):
    sid = lax.axis_index("s")
    wid = sid * _NC + lax.axis_index("c")

    @pl.when(sid == 0)
    def _():
      pltpu.sync_copy(beat_hbm, table_sp.at[pl.ds(0, _OFF_PITCH)])
      pltpu.sync_copy(pitch_hbm, table_sp.at[pl.ds(_OFF_PITCH, 128)])
      pltpu.sync_copy(dur_hbm, table_sp.at[pl.ds(_OFF_DUR, 64)])

    pltpu.async_copy(idxcat_hbm.at[wid], idxc_v, sem0)
    pltpu.async_copy(idxbe_hbm.at[wid], idxb_v, sem1)
    pltpu.make_async_copy(idxcat_hbm.at[0], idxc_v, sem0).wait()
    pltpu.make_async_copy(idxbe_hbm.at[0], idxb_v, sem1).wait()
    plsc.subcore_barrier()

    def fire(idx_v, j, buf, sem):
      pltpu.async_copy(table_sp.at[idx_v.at[j]], buf, sem)

    def drain(idx_v, buf, sem):
      pltpu.make_async_copy(table_sp.at[idx_v.at[0]], buf, sem).wait()

    def field(idx_v, out_hbm, per_w):
      base = wid * per_w
      fire(idx_v, 0, buf0, sem0)
      fire(idx_v, 1, buf1, sem1)

      def body(k, carry):
        i0 = 2 * k
        i1 = i0 + 1
        drain(idx_v, buf0, sem0)
        pltpu.sync_copy(buf0, out_hbm.at[pl.ds((base + i0) * _CHUNK, _CHUNK)])

        @pl.when(i0 + 2 < per_w)
        def _():
          fire(idx_v, i0 + 2, buf0, sem0)

        drain(idx_v, buf1, sem1)
        pltpu.sync_copy(buf1, out_hbm.at[pl.ds((base + i1) * _CHUNK, _CHUNK)])

        @pl.when(i1 + 2 < per_w)
        def _():
          fire(idx_v, i1 + 2, buf1, sem1)

        return carry

      lax.fori_loop(0, per_w // 2, body, 0)

    field(idxc_v, outcat_hbm, _CAT_PER_W)
    field(idxb_v, outbe_hbm, _BE_PER_W)

  return lookup


def kernel(x, beat_info, pitch_emb, beat_emb, dur_emb):
  pitch = x[..., 2]
  dur = x[..., 3]
  idx_cat = jnp.concatenate([pitch + _OFF_PITCH, dur + _OFF_DUR],
                            axis=1).reshape(_NW, _CAT_PER_W, _CHUNK)
  idx_be = beat_info.reshape(_NW, _BE_PER_W, _CHUNK)
  out_cat_flat, be_flat = _make_lookup()(
      pitch_emb, dur_emb, beat_emb, idx_cat, idx_be)
  out_cat = out_cat_flat.reshape(_B, 2 * _L, _EMB)
  be = be_flat.reshape(_B, _L, _EMB)
  return (out_cat, be, beat_info, pitch, dur)

# --- scband reference (transcript-rebuilt; emitter-appended) ---
"""Pipeline reference for scband-cpembedding-layer-3238405341626 (READ-ONLY COPY).

The authoritative reference and input builder live on the scoring server;
editing this copy changes nothing except your own understanding.
"""

import jax, jax.numpy as jnp
import numpy as np

PITCH_NUM = 128
BEAT_NUM = 64
DUR_NUM = 64
EMB = 128
B = 1024
L = 200

def setup_inputs(seed: int = 0):
    key = jax.random.key(seed)
    k1, k2, k3, k4, k5 = jax.random.split(key, 5)
    x = jax.random.randint(k1, (B, L, 4), 0, 64, dtype=jnp.int32)
    beat_info = jax.random.randint(k2, (B, L), 0, 64, dtype=jnp.int32)
    pitch_emb = jax.random.normal(k3, (PITCH_NUM, EMB), dtype=jnp.float32)
    beat_emb = jax.random.normal(k4, (BEAT_NUM, EMB), dtype=jnp.float32)
    dur_emb = jax.random.normal(k5, (DUR_NUM, EMB), dtype=jnp.float32)
    return {"x": x, "beat_info": beat_info, "pitch_emb": pitch_emb, "beat_emb": beat_emb, "dur_emb": dur_emb}

def reference(x, beat_info, pitch_emb, beat_emb, dur_emb):
    # convert(): the vocab dicts (pitch2idx/beat2idx/dur2idx) act as identity maps
    # for in-range values (inputs are generated in-range), so the per-element
    # .apply_ dict lookup reduces to identity.
    pitch = x[..., 2]
    dur = x[..., 3]
    beat = beat_info
    pe = jnp.take(pitch_emb, pitch, axis=0)
    be = jnp.take(beat_emb, beat, axis=0)
    de = jnp.take(dur_emb, dur, axis=0)
    out_cat = jnp.concatenate((pe, de), axis=1)
    return (out_cat, be, beat, pitch, dur)

if __name__ == "__main__":
    import jax
    _d = setup_inputs()
    print(jax.jit(kernel)(*tuple(_d.values())))

</pallas_src>

<mosaic_0001>
#map = affine_map<(d0, d1) -> (0, 0)>
#map1 = affine_map<(d0, d1) -> (0, 0, 0)>
module attributes {stable_mosaic.version = 14 : i64} {
  func.func @lookup(%arg0: i32, %arg1: i32, %arg2: memref<128x128xf32, #tpu.memory_space<hbm>>, %arg3: memref<64x128xf32, #tpu.memory_space<hbm>>, %arg4: memref<64x128xf32, #tpu.memory_space<hbm>>, %arg5: memref<32x100x128xi32, #tpu.memory_space<hbm>>, %arg6: memref<32x50x128xi32, #tpu.memory_space<hbm>>, %arg7: memref<409600x128xf32, #tpu.memory_space<hbm>>, %arg8: memref<204800x128xf32, #tpu.memory_space<hbm>>, %arg9: memref<100x128xi32, #tpu.memory_space<vmem>>, %arg10: memref<50x128xi32, #tpu.memory_space<vmem>>, %arg11: memref<128x128xf32, #tpu.memory_space<vmem>>, %arg12: memref<128x128xf32, #tpu.memory_space<vmem>>, %arg13: memref<256x128xf32, #tpu.memory_space<vmem_shared>>, %arg14: memref<!tpu.dma_semaphore, #tpu.memory_space<semaphore_mem>>, %arg15: memref<!tpu.dma_semaphore, #tpu.memory_space<semaphore_mem>>) attributes {dimension_semantics = [#tpu.dimension_semantics<core_parallel>, #tpu.dimension_semantics<subcore_parallel>], iteration_bounds = array<i64: 2, 16>, scalar_prefetch = 0 : i64, scratch_operands = 7 : i64, tpu.core_type = #tpu.core_type<sc_vector_subcore>, window_params = [{transform_indices = #map}, {transform_indices = #map}, {transform_indices = #map}, {transform_indices = #map1}, {transform_indices = #map1}, {transform_indices = #map}, {transform_indices = #map}]} {
    %mul3A = arith.constant 2 : i32
    %mul3A_0 = arith.muli %arg1, %mul3A : i32
    %add3A = arith.addi %mul3A_0, %arg0 : i32
    %eq3A = arith.constant 0 : i32
    %eq3A_1 = arith.cmpi eq, %arg1, %eq3A : i32
    %convert_element_type3A = arith.extui %eq3A_1 : i1 to i32
    %cond3A = arith.constant 0 : i32
    %cond3A_2 = arith.cmpi ne, %convert_element_type3A, %cond3A : i32
    scf.if %cond3A_2 {
      "tpu.region"() ({
        %run_scoped3A = tpu.sem_alloc : memref<!tpu.dma_semaphore, #tpu.memory_space<semaphore_mem>>
        %dma_start3A_78 = arith.constant 0 : i32
        %dma_start3A_79 = arith.constant 0 : i32
        %dma_start3A_80 = tpu.memref_slice %arg13[%dma_start3A_78, %dma_start3A_79] : memref<256x128xf32, #tpu.memory_space<vmem_shared>> -> memref<64x128xf32, #tpu.memory_space<vmem_shared>>
        tpu.enqueue_dma source(%arg4 : memref<64x128xf32, #tpu.memory_space<hbm>>) target(%dma_start3A_80 : memref<64x128xf32, #tpu.memory_space<vmem_shared>>) target_semaphore(%run_scoped3A : memref<!tpu.dma_semaphore, #tpu.memory_space<semaphore_mem>>)
        %dma_wait3A_81 = arith.constant 0 : i32
        %dma_wait3A_82 = arith.constant 0 : i32
        %dma_wait3A_83 = tpu.memref_slice %arg13[%dma_wait3A_81, %dma_wait3A_82] : memref<256x128xf32, #tpu.memory_space<vmem_shared>> -> memref<64x128xf32, #tpu.memory_space<vmem_shared>>
        tpu.wait_dma2 semaphore(%run_scoped3A : memref<!tpu.dma_semaphore, #tpu.memory_space<semaphore_mem>>) src(%arg4 : memref<64x128xf32, #tpu.memory_space<hbm>>) dst(%dma_wait3A_83 : memref<64x128xf32, #tpu.memory_space<vmem_shared>>)
        tpu.yield
      }) : () -> ()
      "tpu.region"() ({
        %run_scoped3A = tpu.sem_alloc : memref<!tpu.dma_semaphore, #tpu.memory_space<semaphore_mem>>
        %dma_start3A_78 = arith.constant 64 : i32
        %dma_start3A_79 = arith.constant 0 : i32
        %dma_start3A_80 = tpu.memref_slice %arg13[%dma_start3A_78, %dma_start3A_79] : memref<256x128xf32, #tpu.memory_space<vmem_shared>> -> memref<128x128xf32, #tpu.memory_space<vmem_shared>>
        tpu.enqueue_dma source(%arg2 : memref<128x128xf32, #tpu.memory_space<hbm>>) target(%dma_start3A_80 : memref<128x128xf32, #tpu.memory_space<vmem_shared>>) target_semaphore(%run_scoped3A : memref<!tpu.dma_semaphore, #tpu.memory_space<semaphore_mem>>)
        %dma_wait3A_81 = arith.constant 64 : i32
        %dma_wait3A_82 = arith.constant 0 : i32
        %dma_wait3A_83 = tpu.memref_slice %arg13[%dma_wait3A_81, %dma_wait3A_82] : memref<256x128xf32, #tpu.memory_space<vmem_shared>> -> memref<128x128xf32, #tpu.memory_space<vmem_shared>>
        tpu.wait_dma2 semaphore(%run_scoped3A : memref<!tpu.dma_semaphore, #tpu.memory_space<semaphore_mem>>) src(%arg2 : memref<128x128xf32, #tpu.memory_space<hbm>>) dst(%dma_wait3A_83 : memref<128x128xf32, #tpu.memory_space<vmem_shared>>)
        tpu.yield
      }) : () -> ()
      "tpu.region"() ({
        %run_scoped3A = tpu.sem_alloc : memref<!tpu.dma_semaphore, #tpu.memory_space<semaphore_mem>>
        %dma_start3A_78 = arith.constant 192 : i32
        %dma_start3A_79 = arith.constant 0 : i32
        %dma_start3A_80 = tpu.memref_slice %arg13[%dma_start3A_78, %dma_start3A_79] : memref<256x128xf32, #tpu.memory_space<vmem_shared>> -> memref<64x128xf32, #tpu.memory_space<vmem_shared>>
        tpu.enqueue_dma source(%arg3 : memref<64x128xf32, #tpu.memory_space<hbm>>) target(%dma_start3A_80 : memref<64x128xf32, #tpu.memory_space<vmem_shared>>) target_semaphore(%run_scoped3A : memref<!tpu.dma_semaphore, #tpu.memory_space<semaphore_mem>>)
        %dma_wait3A_81 = arith.constant 192 : i32
        %dma_wait3A_82 = arith.constant 0 : i32
        %dma_wait3A_83 = tpu.memref_slice %arg13[%dma_wait3A_81, %dma_wait3A_82] : memref<256x128xf32, #tpu.memory_space<vmem_shared>> -> memref<64x128xf32, #tpu.memory_space<vmem_shared>>
        tpu.wait_dma2 semaphore(%run_scoped3A : memref<!tpu.dma_semaphore, #tpu.memory_space<semaphore_mem>>) src(%arg3 : memref<64x128xf32, #tpu.memory_space<hbm>>) dst(%dma_wait3A_83 : memref<64x128xf32, #tpu.memory_space<vmem_shared>>)
        tpu.yield
      }) : () -> ()
    } else {
    }
    %dma_start3A = arith.constant 0 : i32
    %dma_start3A_3 = arith.constant 0 : i32
    %dma_start3A_4 = tpu.memref_slice %arg5[%add3A, %dma_start3A, %dma_start3A_3] : memref<32x100x128xi32, #tpu.memory_space<hbm>> -> memref<1x100x128xi32, #tpu.memory_space<hbm>>
    %dma_start3A_5 = tpu.memref_squeeze %dma_start3A_4 : memref<1x100x128xi32, #tpu.memory_space<hbm>> -> memref<100x128xi32, #tpu.memory_space<hbm>>
    %dma_start3A_6 = arith.constant 0 : i32
    %dma_start3A_7 = arith.constant 0 : i32
    %dma_start3A_8 = tpu.memref_slice %arg5[%add3A, %dma_start3A_6, %dma_start3A_7] : memref<32x100x128xi32, #tpu.memory_space<hbm>> -> memref<1x100x128xi32, #tpu.memory_space<hbm>>
    %dma_start3A_9 = tpu.memref_squeeze %dma_start3A_8 : memref<1x100x128xi32, #tpu.memory_space<hbm>> -> memref<100x128xi32, #tpu.memory_space<hbm>>
    tpu.enqueue_dma source(%dma_start3A_9 : memref<100x128xi32, #tpu.memory_space<hbm>>) target(%arg9 : memref<100x128xi32, #tpu.memory_space<vmem>>) target_semaphore(%arg14 : memref<!tpu.dma_semaphore, #tpu.memory_space<semaphore_mem>>)
    %dma_start3A_10 = arith.constant 0 : i32
    %dma_start3A_11 = arith.constant 0 : i32
    %dma_start3A_12 = tpu.memref_slice %arg6[%add3A, %dma_start3A_10, %dma_start3A_11] : memref<32x50x128xi32, #tpu.memory_space<hbm>> -> memref<1x50x128xi32, #tpu.memory_space<hbm>>
    %dma_start3A_13 = tpu.memref_squeeze %dma_start3A_12 : memref<1x50x128xi32, #tpu.memory_space<hbm>> -> memref<50x128xi32, #tpu.memory_space<hbm>>
    %dma_start3A_14 = arith.constant 0 : i32
    %dma_start3A_15 = arith.constant 0 : i32
    %dma_start3A_16 = tpu.memref_slice %arg6[%add3A, %dma_start3A_14, %dma_start3A_15] : memref<32x50x128xi32, #tpu.memory_space<hbm>> -> memref<1x50x128xi32, #tpu.memory_space<hbm>>
    %dma_start3A_17 = tpu.memref_squeeze %dma_start3A_16 : memref<1x50x128xi32, #tpu.memory_space<hbm>> -> memref<50x128xi32, #tpu.memory_space<hbm>>
    tpu.enqueue_dma source(%dma_start3A_17 : memref<50x128xi32, #tpu.memory_space<hbm>>) target(%arg10 : memref<50x128xi32, #tpu.memory_space<vmem>>) target_semaphore(%arg15 : memref<!tpu.dma_semaphore, #tpu.memory_space<semaphore_mem>>)
    %dma_wait3A = arith.constant 0 : i32
    %dma_wait3A_18 = arith.constant 0 : i32
    %dma_wait3A_19 = arith.constant 0 : i32
    %dma_wait3A_20 = tpu.memref_slice %arg5[%dma_wait3A, %dma_wait3A_18, %dma_wait3A_19] : memref<32x100x128xi32, #tpu.memory_space<hbm>> -> memref<1x100x128xi32, #tpu.memory_space<hbm>>
    %dma_wait3A_21 = tpu.memref_squeeze %dma_wait3A_20 : memref<1x100x128xi32, #tpu.memory_space<hbm>> -> memref<100x128xi32, #tpu.memory_space<hbm>>
    %dma_wait3A_22 = arith.constant 0 : i32
    %dma_wait3A_23 = arith.constant 0 : i32
    %dma_wait3A_24 = tpu.memref_slice %arg5[%dma_wait3A, %dma_wait3A_22, %dma_wait3A_23] : memref<32x100x128xi32, #tpu.memory_space<hbm>> -> memref<1x100x128xi32, #tpu.memory_space<hbm>>
    %dma_wait3A_25 = tpu.memref_squeeze %dma_wait3A_24 : memref<1x100x128xi32, #tpu.memory_space<hbm>> -> memref<100x128xi32, #tpu.memory_space<hbm>>
    tpu.wait_dma2 semaphore(%arg14 : memref<!tpu.dma_semaphore, #tpu.memory_space<semaphore_mem>>) src(%dma_wait3A_25 : memref<100x128xi32, #tpu.memory_space<hbm>>) dst(%arg9 : memref<100x128xi32, #tpu.memory_space<vmem>>)
    %dma_wait3A_26 = arith.constant 0 : i32
    %dma_wait3A_27 = arith.constant 0 : i32
    %dma_wait3A_28 = arith.constant 0 : i32
    %dma_wait3A_29 = tpu.memref_slice %arg6[%dma_wait3A_26, %dma_wait3A_27, %dma_wait3A_28] : memref<32x50x128xi32, #tpu.memory_space<hbm>> -> memref<1x50x128xi32, #tpu.memory_space<hbm>>
    %dma_wait3A_30 = tpu.memref_squeeze %dma_wait3A_29 : memref<1x50x128xi32, #tpu.memory_space<hbm>> -> memref<50x128xi32, #tpu.memory_space<hbm>>
    %dma_wait3A_31 = arith.constant 0 : i32
    %dma_wait3A_32 = arith.constant 0 : i32
    %dma_wait3A_33 = tpu.memref_slice %arg6[%dma_wait3A_26, %dma_wait3A_31, %dma_wait3A_32] : memref<32x50x128xi32, #tpu.memory_space<hbm>> -> memref<1x50x128xi32, #tpu.memory_space<hbm>>
    %dma_wait3A_34 = tpu.memref_squeeze %dma_wait3A_33 : memref<1x50x128xi32, #tpu.memory_space<hbm>> -> memref<50x128xi32, #tpu.memory_space<hbm>>
    tpu.wait_dma2 semaphore(%arg15 : memref<!tpu.dma_semaphore, #tpu.memory_space<semaphore_mem>>) src(%dma_wait3A_34 : memref<50x128xi32, #tpu.memory_space<hbm>>) dst(%arg10 : memref<50x128xi32, #tpu.memory_space<vmem>>)
    %barrier3A = arith.constant 0 : index
    tpu.barrier barrier_id(%barrier3A)
    %mul3A_35 = arith.constant 100 : i32
    %mul3A_36 = arith.muli %add3A, %mul3A_35 : i32
    %dma_start3A_37 = arith.constant 0 : i32
    %dma_start3A_38 = arith.constant 0 : i32
    %dma_start3A_39 = tpu.memref_slice %arg9[%dma_start3A_37, %dma_start3A_38] : memref<100x128xi32, #tpu.memory_space<vmem>> -> memref<1x128xi32, #tpu.memory_space<vmem>>
    %dma_start3A_40 = tpu.memref_squeeze %dma_start3A_39 : memref<1x128xi32, #tpu.memory_space<vmem>> -> memref<128xi32, #tpu.memory_space<vmem>>
    %dma_start3A_41 = arith.constant 0 : i32
    %dma_start3A_42 = arith.constant 0 : i32
    %dma_start3A_43 = tpu.memref_slice %arg13[%dma_start3A_41, %dma_start3A_42] : memref<256x128xf32, #tpu.memory_space<vmem_shared>> -> memref<256x128xf32, #tpu.memory_space<vmem_shared>>
    tpu.enqueue_indirect_dma source(%dma_start3A_43 : memref<256x128xf32, #tpu.memory_space<vmem_shared>>) target(%arg11 : memref<128x128xf32, #tpu.memory_space<vmem>>) offsets(%dma_start3A_40 : memref<128xi32, #tpu.memory_space<vmem>>) semaphore(%arg14 : memref<!tpu.dma_semaphore, #tpu.memory_space<semaphore_mem>>)
    %dma_start3A_44 = arith.constant 1 : i32
    %dma_start3A_45 = arith.constant 0 : i32
    %dma_start3A_46 = tpu.memref_slice %arg9[%dma_start3A_44, %dma_start3A_45] : memref<100x128xi32, #tpu.memory_space<vmem>> -> memref<1x128xi32, #tpu.memory_space<vmem>>
    %dma_start3A_47 = tpu.memref_squeeze %dma_start3A_46 : memref<1x128xi32, #tpu.memory_space<vmem>> -> memref<128xi32, #tpu.memory_space<vmem>>
    %dma_start3A_48 = arith.constant 0 : i32
    %dma_start3A_49 = arith.constant 0 : i32
    %dma_start3A_50 = tpu.memref_slice %arg13[%dma_start3A_48, %dma_start3A_49] : memref<256x128xf32, #tpu.memory_space<vmem_shared>> -> memref<256x128xf32, #tpu.memory_space<vmem_shared>>
    tpu.enqueue_indirect_dma source(%dma_start3A_50 : memref<256x128xf32, #tpu.memory_space<vmem_shared>>) target(%arg12 : memref<128x128xf32, #tpu.memory_space<vmem>>) offsets(%dma_start3A_47 : memref<128xi32, #tpu.memory_space<vmem>>) semaphore(%arg15 : memref<!tpu.dma_semaphore, #tpu.memory_space<semaphore_mem>>)
    %scan3A = arith.constant 0 : i32
    %scan3A_51 = arith.constant 0 : i32
    %scan3A_52 = arith.constant 50 : i32
    %scan3A_53 = arith.addi %scan3A_51, %scan3A_52 : i32
    %scan3A_54 = arith.constant 1 : i32
    scf.for %scan3A_78 = %scan3A_51 to %scan3A_53 step %scan3A_54  : i32 {
      %mul3A_79 = arith.constant 2 : i32
      %mul3A_80 = arith.muli %mul3A_79, %scan3A_78 : i32
      %add3A_81 = arith.constant 1 : i32
      %add3A_82 = arith.addi %mul3A_80, %add3A_81 : i32
      %dma_wait3A_83 = arith.constant 0 : i32
      %dma_wait3A_84 = arith.constant 0 : i32
      %dma_wait3A_85 = tpu.memref_slice %arg9[%dma_wait3A_83, %dma_wait3A_84] : memref<100x128xi32, #tpu.memory_space<vmem>> -> memref<1x128xi32, #tpu.memory_space<vmem>>
      %dma_wait3A_86 = tpu.memref_squeeze %dma_wait3A_85 : memref<1x128xi32, #tpu.memory_space<vmem>> -> memref<128xi32, #tpu.memory_space<vmem>>
      %dma_wait3A_87 = arith.constant 0 : i32
      %dma_wait3A_88 = arith.constant 0 : i32
      %dma_wait3A_89 = tpu.memref_slice %arg13[%dma_wait3A_87, %dma_wait3A_88] : memref<256x128xf32, #tpu.memory_space<vmem_shared>> -> memref<256x128xf32, #tpu.memory_space<vmem_shared>>
      tpu.wait_indirect_dma semaphore(%arg14 : memref<!tpu.dma_semaphore, #tpu.memory_space<semaphore_mem>>) src(%dma_wait3A_89 : memref<256x128xf32, #tpu.memory_space<vmem_shared>>) dst(%arg11 : memref<128x128xf32, #tpu.memory_space<vmem>>)
      %add3A_90 = arith.addi %mul3A_36, %mul3A_80 : i32
      %mul3A_91 = arith.constant 128 : i32
      %mul3A_92 = arith.muli %add3A_90, %mul3A_91 : i32
      "tpu.region"() ({
        %run_scoped3A = tpu.sem_alloc : memref<!tpu.dma_semaphore, #tpu.memory_space<semaphore_mem>>
        %dma_start3A_116 = arith.constant 0 : i32
        %dma_start3A_117 = tpu.memref_slice %arg7[%mul3A_92, %dma_start3A_116] : memref<409600x128xf32, #tpu.memory_space<hbm>> -> memref<128x128xf32, #tpu.memory_space<hbm>>
        %dma_start3A_118 = arith.constant 0 : i32
        %dma_start3A_119 = tpu.memref_slice %arg7[%mul3A_92, %dma_start3A_118] : memref<409600x128xf32, #tpu.memory_space<hbm>> -> memref<128x128xf32, #tpu.memory_space<hbm>>
        tpu.enqueue_dma source(%arg11 : memref<128x128xf32, #tpu.memory_space<vmem>>) target(%dma_start3A_119 : memref<128x128xf32, #tpu.memory_space<hbm>>) target_semaphore(%run_scoped3A : memref<!tpu.dma_semaphore, #tpu.memory_space<semaphore_mem>>)
        %dma_wait3A_120 = arith.constant 0 : i32
        %dma_wait3A_121 = tpu.memref_slice %arg7[%mul3A_92, %dma_wait3A_120] : memref<409600x128xf32, #tpu.memory_space<hbm>> -> memref<128x128xf32, #tpu.memory_space<hbm>>
        %dma_wait3A_122 = arith.constant 0 : i32
        %dma_wait3A_123 = tpu.memref_slice %arg7[%mul3A_92, %dma_wait3A_122] : memref<409600x128xf32, #tpu.memory_space<hbm>> -> memref<128x128xf32, #tpu.memory_space<hbm>>
        tpu.wait_dma2 semaphore(%run_scoped3A : memref<!tpu.dma_semaphore, #tpu.memory_space<semaphore_mem>>) src(%arg11 : memref<128x128xf32, #tpu.memory_space<vmem>>) dst(%dma_wait3A_123 : memref<128x128xf32, #tpu.memory_space<hbm>>)
        tpu.yield
      }) : () -> ()
      %add3A_93 = arith.constant 2 : i32
      %add3A_94 = arith.addi %mul3A_80, %add3A_93 : i32
      %lt3A = arith.constant 100 : i32
      %lt3A_95 = arith.cmpi slt, %add3A_94, %lt3A : i32
      %convert_element_type3A_96 = arith.extui %lt3A_95 : i1 to i32
      %cond3A_97 = arith.constant 0 : i32
      %cond3A_98 = arith.cmpi ne, %convert_element_type3A_96, %cond3A_97 : i32
      scf.if %cond3A_98 {
        %add3A_116 = arith.constant 2 : i32
        %add3A_117 = arith.addi %mul3A_80, %add3A_116 : i32
        %dma_start3A_118 = arith.constant 0 : i32
        %dma_start3A_119 = tpu.memref_slice %arg9[%add3A_117, %dma_start3A_118] : memref<100x128xi32, #tpu.memory_space<vmem>> -> memref<1x128xi32, #tpu.memory_space<vmem>>
        %dma_start3A_120 = tpu.memref_squeeze %dma_start3A_119 : memref<1x128xi32, #tpu.memory_space<vmem>> -> memref<128xi32, #tpu.memory_space<vmem>>
        %dma_start3A_121 = arith.constant 0 : i32
        %dma_start3A_122 = arith.constant 0 : i32
        %dma_start3A_123 = tpu.memref_slice %arg13[%dma_start3A_121, %dma_start3A_122] : memref<256x128xf32, #tpu.memory_space<vmem_shared>> -> memref<256x128xf32, #tpu.memory_space<vmem_shared>>
        tpu.enqueue_indirect_dma source(%dma_start3A_123 : memref<256x128xf32, #tpu.memory_space<vmem_shared>>) target(%arg11 : memref<128x128xf32, #tpu.memory_space<vmem>>) offsets(%dma_start3A_120 : memref<128xi32, #tpu.memory_space<vmem>>) semaphore(%arg14 : memref<!tpu.dma_semaphore, #tpu.memory_space<semaphore_mem>>)
      } else {
      }
      %dma_wait3A_99 = arith.constant 0 : i32
      %dma_wait3A_100 = arith.constant 0 : i32
      %dma_wait3A_101 = tpu.memref_slice %arg9[%dma_wait3A_99, %dma_wait3A_100] : memref<100x128xi32, #tpu.memory_space<vmem>> -> memref<1x128xi32, #tpu.memory_space<vmem>>
      %dma_wait3A_102 = tpu.memref_squeeze %dma_wait3A_101 : memref<1x128xi32, #tpu.memory_space<vmem>> -> memref<128xi32, #tpu.memory_space<vmem>>
      %dma_wait3A_103 = arith.constant 0 : i32
      %dma_wait3A_104 = arith.constant 0 : i32
      %dma_wait3A_105 = tpu.memref_slice %arg13[%dma_wait3A_103, %dma_wait3A_104] : memref<256x128xf32, #tpu.memory_space<vmem_shared>> -> memref<256x128xf32, #tpu.memory_space<vmem_shared>>
      tpu.wait_indirect_dma semaphore(%arg15 : memref<!tpu.dma_semaphore, #tpu.memory_space<semaphore_mem>>) src(%dma_wait3A_105 : memref<256x128xf32, #tpu.memory_space<vmem_shared>>) dst(%arg12 : memref<128x128xf32, #tpu.memory_space<vmem>>)
      %add3A_106 = arith.addi %mul3A_36, %add3A_82 : i32
      %mul3A_107 = arith.constant 128 : i32
      %mul3A_108 = arith.muli %add3A_106, %mul3A_107 : i32
      "tpu.region"() ({
        %run_scoped3A = tpu.sem_alloc : memref<!tpu.dma_semaphore, #tpu.memory_space<semaphore_mem>>
        %dma_start3A_116 = arith.constant 0 : i32
        %dma_start3A_117 = tpu.memref_slice %arg7[%mul3A_108, %dma_start3A_116] : memref<409600x128xf32, #tpu.memory_space<hbm>> -> memref<128x128xf32, #tpu.memory_space<hbm>>
        %dma_start3A_118 = arith.constant 0 : i32
        %dma_start3A_119 = tpu.memref_slice %arg7[%mul3A_108, %dma_start3A_118] : memref<409600x128xf32, #tpu.memory_space<hbm>> -> memref<128x128xf32, #tpu.memory_space<hbm>>
        tpu.enqueue_dma source(%arg12 : memref<128x128xf32, #tpu.memory_space<vmem>>) target(%dma_start3A_119 : memref<128x128xf32, #tpu.memory_space<hbm>>) target_semaphore(%run_scoped3A : memref<!tpu.dma_semaphore, #tpu.memory_space<semaphore_mem>>)
        %dma_wait3A_120 = arith.constant 0 : i32
        %dma_wait3A_121 = tpu.memref_slice %arg7[%mul3A_108, %dma_wait3A_120] : memref<409600x128xf32, #tpu.memory_space<hbm>> -> memref<128x128xf32, #tpu.memory_space<hbm>>
        %dma_wait3A_122 = arith.constant 0 : i32
        %dma_wait3A_123 = tpu.memref_slice %arg7[%mul3A_108, %dma_wait3A_122] : memref<409600x128xf32, #tpu.memory_space<hbm>> -> memref<128x128xf32, #tpu.memory_space<hbm>>
        tpu.wait_dma2 semaphore(%run_scoped3A : memref<!tpu.dma_semaphore, #tpu.memory_space<semaphore_mem>>) src(%arg12 : memref<128x128xf32, #tpu.memory_space<vmem>>) dst(%dma_wait3A_123 : memref<128x128xf32, #tpu.memory_space<hbm>>)
        tpu.yield
      }) : () -> ()
      %add3A_109 = arith.constant 2 : i32
      %add3A_110 = arith.addi %add3A_82, %add3A_109 : i32
      %lt3A_111 = arith.constant 100 : i32
      %lt3A_112 = arith.cmpi slt, %add3A_110, %lt3A_111 : i32
      %convert_element_type3A_113 = arith.extui %lt3A_112 : i1 to i32
      %cond3A_114 = arith.constant 0 : i32
      %cond3A_115 = arith.cmpi ne, %convert_element_type3A_113, %cond3A_114 : i32
      scf.if %cond3A_115 {
        %add3A_116 = arith.constant 2 : i32
        %add3A_117 = arith.addi %add3A_82, %add3A_116 : i32
        %dma_start3A_118 = arith.constant 0 : i32
        %dma_start3A_119 = tpu.memref_slice %arg9[%add3A_117, %dma_start3A_118] : memref<100x128xi32, #tpu.memory_space<vmem>> -> memref<1x128xi32, #tpu.memory_space<vmem>>
        %dma_start3A_120 = tpu.memref_squeeze %dma_start3A_119 : memref<1x128xi32, #tpu.memory_space<vmem>> -> memref<128xi32, #tpu.memory_space<vmem>>
        %dma_start3A_121 = arith.constant 0 : i32
        %dma_start3A_122 = arith.constant 0 : i32
        %dma_start3A_123 = tpu.memref_slice %arg13[%dma_start3A_121, %dma_start3A_122] : memref<256x128xf32, #tpu.memory_space<vmem_shared>> -> memref<256x128xf32, #tpu.memory_space<vmem_shared>>
        tpu.enqueue_indirect_dma source(%dma_start3A_123 : memref<256x128xf32, #tpu.memory_space<vmem_shared>>) target(%arg12 : memref<128x128xf32, #tpu.memory_space<vmem>>) offsets(%dma_start3A_120 : memref<128xi32, #tpu.memory_space<vmem>>) semaphore(%arg15 : memref<!tpu.dma_semaphore, #tpu.memory_space<semaphore_mem>>)
      } else {
      }
    }
    %scan3A_55 = arith.constant 50 : i32
    %mul3A_56 = arith.constant 50 : i32
    %mul3A_57 = arith.muli %add3A, %mul3A_56 : i32
    %dma_start3A_58 = arith.constant 0 : i32
    %dma_start3A_59 = arith.constant 0 : i32
    %dma_start3A_60 = tpu.memref_slice %arg10[%dma_start3A_58, %dma_start3A_59] : memref<50x128xi32, #tpu.memory_space<vmem>> -> memref<1x128xi32, #tpu.memory_space<vmem>>
    %dma_start3A_61 = tpu.memref_squeeze %dma_start3A_60 : memref<1x128xi32, #tpu.memory_space<vmem>> -> memref<128xi32, #tpu.memory_space<vmem>>
    %dma_start3A_62 = arith.constant 0 : i32
    %dma_start3A_63 = arith.constant 0 : i32
    %dma_start3A_64 = tpu.memref_slice %arg13[%dma_start3A_62, %dma_start3A_63] : memref<256x128xf32, #tpu.memory_space<vmem_shared>> -> memref<256x128xf32, #tpu.memory_space<vmem_shared>>
    tpu.enqueue_indirect_dma source(%dma_start3A_64 : memref<256x128xf32, #tpu.memory_space<vmem_shared>>) target(%arg11 : memref<128x128xf32, #tpu.memory_space<vmem>>) offsets(%dma_start3A_61 : memref<128xi32, #tpu.memory_space<vmem>>) semaphore(%arg14 : memref<!tpu.dma_semaphore, #tpu.memory_space<semaphore_mem>>)
    %dma_start3A_65 = arith.constant 1 : i32
    %dma_start3A_66 = arith.constant 0 : i32
    %dma_start3A_67 = tpu.memref_slice %arg10[%dma_start3A_65, %dma_start3A_66] : memref<50x128xi32, #tpu.memory_space<vmem>> -> memref<1x128xi32, #tpu.memory_space<vmem>>
    %dma_start3A_68 = tpu.memref_squeeze %dma_start3A_67 : memref<1x128xi32, #tpu.memory_space<vmem>> -> memref<128xi32, #tpu.memory_space<vmem>>
    %dma_start3A_69 = arith.constant 0 : i32
    %dma_start3A_70 = arith.constant 0 : i32
    %dma_start3A_71 = tpu.memref_slice %arg13[%dma_start3A_69, %dma_start3A_70] : memref<256x128xf32, #tpu.memory_space<vmem_shared>> -> memref<256x128xf32, #tpu.memory_space<vmem_shared>>
    tpu.enqueue_indirect_dma source(%dma_start3A_71 : memref<256x128xf32, #tpu.memory_space<vmem_shared>>) target(%arg12 : memref<128x128xf32, #tpu.memory_space<vmem>>) offsets(%dma_start3A_68 : memref<128xi32, #tpu.memory_space<vmem>>) semaphore(%arg15 : memref<!tpu.dma_semaphore, #tpu.memory_space<semaphore_mem>>)
    %scan3A_72 = arith.constant 0 : i32
    %scan3A_73 = arith.constant 0 : i32
    %scan3A_74 = arith.constant 25 : i32
    %scan3A_75 = arith.addi %scan3A_73, %scan3A_74 : i32
    %scan3A_76 = arith.constant 1 : i32
    scf.for %scan3A_78 = %scan3A_73 to %scan3A_75 step %scan3A_76  : i32 {
      %mul3A_79 = arith.constant 2 : i32
      %mul3A_80 = arith.muli %mul3A_79, %scan3A_78 : i32
      %add3A_81 = arith.constant 1 : i32
      %add3A_82 = arith.addi %mul3A_80, %add3A_81 : i32
      %dma_wait3A_83 = arith.constant 0 : i32
      %dma_wait3A_84 = arith.constant 0 : i32
      %dma_wait3A_85 = tpu.memref_slice %arg10[%dma_wait3A_83, %dma_wait3A_84] : memref<50x128xi32, #tpu.memory_space<vmem>> -> memref<1x128xi32, #tpu.memory_space<vmem>>
      %dma_wait3A_86 = tpu.memref_squeeze %dma_wait3A_85 : memref<1x128xi32, #tpu.memory_space<vmem>> -> memref<128xi32, #tpu.memory_space<vmem>>
      %dma_wait3A_87 = arith.constant 0 : i32
      %dma_wait3A_88 = arith.constant 0 : i32
      %dma_wait3A_89 = tpu.memref_slice %arg13[%dma_wait3A_87, %dma_wait3A_88] : memref<256x128xf32, #tpu.memory_space<vmem_shared>> -> memref<256x128xf32, #tpu.memory_space<vmem_shared>>
      tpu.wait_indirect_dma semaphore(%arg14 : memref<!tpu.dma_semaphore, #tpu.memory_space<semaphore_mem>>) src(%dma_wait3A_89 : memref<256x128xf32, #tpu.memory_space<vmem_shared>>) dst(%arg11 : memref<128x128xf32, #tpu.memory_space<vmem>>)
      %add3A_90 = arith.addi %mul3A_57, %mul3A_80 : i32
      %mul3A_91 = arith.constant 128 : i32
      %mul3A_92 = arith.muli %add3A_90, %mul3A_91 : i32
      "tpu.region"() ({
        %run_scoped3A = tpu.sem_alloc : memref<!tpu.dma_semaphore, #tpu.memory_space<semaphore_mem>>
        %dma_start3A_116 = arith.constant 0 : i32
        %dma_start3A_117 = tpu.memref_slice %arg8[%mul3A_92, %dma_start3A_116] : memref<204800x128xf32, #tpu.memory_space<hbm>> -> memref<128x128xf32, #tpu.memory_space<hbm>>
        %dma_start3A_118 = arith.constant 0 : i32
        %dma_start3A_119 = tpu.memref_slice %arg8[%mul3A_92, %dma_start3A_118] : memref<204800x128xf32, #tpu.memory_space<hbm>> -> memref<128x128xf32, #tpu.memory_space<hbm>>
        tpu.enqueue_dma source(%arg11 : memref<128x128xf32, #tpu.memory_space<vmem>>) target(%dma_start3A_119 : memref<128x128xf32, #tpu.memory_space<hbm>>) target_semaphore(%run_scoped3A : memref<!tpu.dma_semaphore, #tpu.memory_space<semaphore_mem>>)
        %dma_wait3A_120 = arith.constant 0 : i32
        %dma_wait3A_121 = tpu.memref_slice %arg8[%mul3A_92, %dma_wait3A_120] : memref<204800x128xf32, #tpu.memory_space<hbm>> -> memref<128x128xf32, #tpu.memory_space<hbm>>
        %dma_wait3A_122 = arith.constant 0 : i32
        %dma_wait3A_123 = tpu.memref_slice %arg8[%mul3A_92, %dma_wait3A_122] : memref<204800x128xf32, #tpu.memory_space<hbm>> -> memref<128x128xf32, #tpu.memory_space<hbm>>
        tpu.wait_dma2 semaphore(%run_scoped3A : memref<!tpu.dma_semaphore, #tpu.memory_space<semaphore_mem>>) src(%arg11 : memref<128x128xf32, #tpu.memory_space<vmem>>) dst(%dma_wait3A_123 : memref<128x128xf32, #tpu.memory_space<hbm>>)
        tpu.yield
      }) : () -> ()
      %add3A_93 = arith.constant 2 : i32
      %add3A_94 = arith.addi %mul3A_80, %add3A_93 : i32
      %lt3A = arith.constant 50 : i32
      %lt3A_95 = arith.cmpi slt, %add3A_94, %lt3A : i32
      %convert_element_type3A_96 = arith.extui %lt3A_95 : i1 to i32
      %cond3A_97 = arith.constant 0 : i32
      %cond3A_98 = arith.cmpi ne, %convert_element_type3A_96, %cond3A_97 : i32
      scf.if %cond3A_98 {
        %add3A_116 = arith.constant 2 : i32
        %add3A_117 = arith.addi %mul3A_80, %add3A_116 : i32
        %dma_start3A_118 = arith.constant 0 : i32
        %dma_start3A_119 = tpu.memref_slice %arg10[%add3A_117, %dma_start3A_118] : memref<50x128xi32, #tpu.memory_space<vmem>> -> memref<1x128xi32, #tpu.memory_space<vmem>>
        %dma_start3A_120 = tpu.memref_squeeze %dma_start3A_119 : memref<1x128xi32, #tpu.memory_space<vmem>> -> memref<128xi32, #tpu.memory_space<vmem>>
        %dma_start3A_121 = arith.constant 0 : i32
        %dma_start3A_122 = arith.constant 0 : i32
        %dma_start3A_123 = tpu.memref_slice %arg13[%dma_start3A_121, %dma_start3A_122] : memref<256x128xf32, #tpu.memory_space<vmem_shared>> -> memref<256x128xf32, #tpu.memory_space<vmem_shared>>
        tpu.enqueue_indirect_dma source(%dma_start3A_123 : memref<256x128xf32, #tpu.memory_space<vmem_shared>>) target(%arg11 : memref<128x128xf32, #tpu.memory_space<vmem>>) offsets(%dma_start3A_120 : memref<128xi32, #tpu.memory_space<vmem>>) semaphore(%arg14 : memref<!tpu.dma_semaphore, #tpu.memory_space<semaphore_mem>>)
      } else {
      }
      %dma_wait3A_99 = arith.constant 0 : i32
      %dma_wait3A_100 = arith.constant 0 : i32
      %dma_wait3A_101 = tpu.memref_slice %arg10[%dma_wait3A_99, %dma_wait3A_100] : memref<50x128xi32, #tpu.memory_space<vmem>> -> memref<1x128xi32, #tpu.memory_space<vmem>>
      %dma_wait3A_102 = tpu.memref_squeeze %dma_wait3A_101 : memref<1x128xi32, #tpu.memory_space<vmem>> -> memref<128xi32, #tpu.memory_space<vmem>>
      %dma_wait3A_103 = arith.constant 0 : i32
      %dma_wait3A_104 = arith.constant 0 : i32
      %dma_wait3A_105 = tpu.memref_slice %arg13[%dma_wait3A_103, %dma_wait3A_104] : memref<256x128xf32, #tpu.memory_space<vmem_shared>> -> memref<256x128xf32, #tpu.memory_space<vmem_shared>>
      tpu.wait_indirect_dma semaphore(%arg15 : memref<!tpu.dma_semaphore, #tpu.memory_space<semaphore_mem>>) src(%dma_wait3A_105 : memref<256x128xf32, #tpu.memory_space<vmem_shared>>) dst(%arg12 : memref<128x128xf32, #tpu.memory_space<vmem>>)
      %add3A_106 = arith.addi %mul3A_57, %add3A_82 : i32
      %mul3A_107 = arith.constant 128 : i32
      %mul3A_108 = arith.muli %add3A_106, %mul3A_107 : i32
      "tpu.region"() ({
        %run_scoped3A = tpu.sem_alloc : memref<!tpu.dma_semaphore, #tpu.memory_space<semaphore_mem>>
        %dma_start3A_116 = arith.constant 0 : i32
        %dma_start3A_117 = tpu.memref_slice %arg8[%mul3A_108, %dma_start3A_116] : memref<204800x128xf32, #tpu.memory_space<hbm>> -> memref<128x128xf32, #tpu.memory_space<hbm>>
        %dma_start3A_118 = arith.constant 0 : i32
        %dma_start3A_119 = tpu.memref_slice %arg8[%mul3A_108, %dma_start3A_118] : memref<204800x128xf32, #tpu.memory_space<hbm>> -> memref<128x128xf32, #tpu.memory_space<hbm>>
        tpu.enqueue_dma source(%arg12 : memref<128x128xf32, #tpu.memory_space<vmem>>) target(%dma_start3A_119 : memref<128x128xf32, #tpu.memory_space<hbm>>) target_semaphore(%run_scoped3A : memref<!tpu.dma_semaphore, #tpu.memory_space<semaphore_mem>>)
        %dma_wait3A_120 = arith.constant 0 : i32
        %dma_wait3A_121 = tpu.memref_slice %arg8[%mul3A_108, %dma_wait3A_120] : memref<204800x128xf32, #tpu.memory_space<hbm>> -> memref<128x128xf32, #tpu.memory_space<hbm>>
        %dma_wait3A_122 = arith.constant 0 : i32
        %dma_wait3A_123 = tpu.memref_slice %arg8[%mul3A_108, %dma_wait3A_122] : memref<204800x128xf32, #tpu.memory_space<hbm>> -> memref<128x128xf32, #tpu.memory_space<hbm>>
        tpu.wait_dma2 semaphore(%run_scoped3A : memref<!tpu.dma_semaphore, #tpu.memory_space<semaphore_mem>>) src(%arg12 : memref<128x128xf32, #tpu.memory_space<vmem>>) dst(%dma_wait3A_123 : memref<128x128xf32, #tpu.memory_space<hbm>>)
        tpu.yield
      }) : () -> ()
      %add3A_109 = arith.constant 2 : i32
      %add3A_110 = arith.addi %add3A_82, %add3A_109 : i32
      %lt3A_111 = arith.constant 50 : i32
      %lt3A_112 = arith.cmpi slt, %add3A_110, %lt3A_111 : i32
      %convert_element_type3A_113 = arith.extui %lt3A_112 : i1 to i32
      %cond3A_114 = arith.constant 0 : i32
      %cond3A_115 = arith.cmpi ne, %convert_element_type3A_113, %cond3A_114 : i32
      scf.if %cond3A_115 {
        %add3A_116 = arith.constant 2 : i32
        %add3A_117 = arith.addi %add3A_82, %add3A_116 : i32
        %dma_start3A_118 = arith.constant 0 : i32
        %dma_start3A_119 = tpu.memref_slice %arg10[%add3A_117, %dma_start3A_118] : memref<50x128xi32, #tpu.memory_space<vmem>> -> memref<1x128xi32, #tpu.memory_space<vmem>>
        %dma_start3A_120 = tpu.memref_squeeze %dma_start3A_119 : memref<1x128xi32, #tpu.memory_space<vmem>> -> memref<128xi32, #tpu.memory_space<vmem>>
        %dma_start3A_121 = arith.constant 0 : i32
        %dma_start3A_122 = arith.constant 0 : i32
        %dma_start3A_123 = tpu.memref_slice %arg13[%dma_start3A_121, %dma_start3A_122] : memref<256x128xf32, #tpu.memory_space<vmem_shared>> -> memref<256x128xf32, #tpu.memory_space<vmem_shared>>
        tpu.enqueue_indirect_dma source(%dma_start3A_123 : memref<256x128xf32, #tpu.memory_space<vmem_shared>>) target(%arg12 : memref<128x128xf32, #tpu.memory_space<vmem>>) offsets(%dma_start3A_120 : memref<128xi32, #tpu.memory_space<vmem>>) semaphore(%arg15 : memref<!tpu.dma_semaphore, #tpu.memory_space<semaphore_mem>>)
      } else {
      }
    }
    %scan3A_77 = arith.constant 25 : i32
    return
  }
}

</mosaic_0001>

<sc_bundles>
// kernel: kernel.3.cloned.1.call-start
scs
__scs_entry_jumppad:
0x0: {  	(pc) =	sbr.rel $0x88, $3  }
0x1: {  	(tag) =	ssettag $0x0;
	lr =	simm.s32 $0x1  }
0x2: {  	[smem:$0x3F9C] =	sst lr;
	_ =	strace $0xD0000000  }
0x3: {  	_ = 	snop  }
0x4: {  	_ = 	snop  }
0x5: {  	_ = 	snop  }
0x6: {  	_ = 	snop  }
0x7: {  	_ = 	snop  }
__scs_overlays_trampoline_lowered:
0x8: {  	[smem:$0x3FAB] =	sst s0  }
0x9: {  	[smem:$0x3FAC] =	sst s1  }
0xa: {  	[smem:$0x3FAD] =	sst s2  }
0xb: {  	[smem:$0x3FAE] =	sst s3  }
0xc: {  	[smem:$0x3FAF] =	sst s4  }
0xd: {  	[smem:$0x3FB0] =	sst s5  }
0xe: {  	[smem:$0x3FB1] =	sst s6  }
0xf: {  	[smem:$0x3FB2] =	sst s7  }
0x10: {  	[smem:$0x3FB3] =	sst s8  }
0x11: {  	[smem:$0x3FB4] =	sst s9;
	s0 =	simm.s32 @!p0 $0x0  }
0x12: {  	s1 =	sld [smem:$0x3F9A];
	s0 =	simm.s32 @p0 $0x1  }
0x13: {  	[smem:$0x3FB5] =	sst s0;
	s0 =	simm.s32 @!p1 $0x0  }
0x14: {  	s2 =	sld [smem:$0x3F99];
	s0 =	simm.s32 @p1 $0x1  }
0x15: {  	[smem:$0x3FB6] =	sst s0;
	s0 =	simm.s32 @!p2 $0x0  }
0x16: {  	s3 =	sld [smem:$0x3FDB];
	s0 =	simm.s32 @p2 $0x1  }
0x17: {  	s4 =	simm.s32 $0x1BF5;
	[smem:$0x3FB8] =	sst s0  }
0x18: {  	s0 =	sld [smem:$0x3F9B];
	_ =	swait.ge [sflag:s4], $0x0  }
0x19: {  	s7 =	sld [smem:$0x3F9C]  }
0x1a: {  	s8 =	sadd.s32 $0xFFFFE003, lr  }
0x1b: {  	s9 =	sadd.s32 $0xFFFFFEF7, lr;
	s5 =	simm.s32 $0xFFFFFFFF;
	p2 =	slt.u32 s8, $0xFFFFF086  }
0x1c: {  	p1 =	slt.u32 s9, $0xF7A;
	s5 =	simm.s32 @!p2 $0x0  }
0x1d: {  	s5 =	simm.s32 @p1 $0x1;
	p0 =	seq.s32 s7, s2  }
0x1e: {  	s7 =	smul.u32 @!p0 $0xF7A, s2;
	p2 =	seq.s32 @!p0 s5, $0x0  }
0x1f: {  	s9 =	smul.u32 $0xF7A, s1;
	s8 =	simm.s32 @!p0 $0x1BF5;
	p2 =	por !p2, p0  }
0x20: {  	[sflag:s8] =	ssyncset.s32 @!p0 $0xFFFFF086;
	s6 =	sadd.s32 @!p0 s3, s7;
	s7 =	simm.s32 @!p0 $0x108  }
0x21: {  	s3 =	sadd.s32 s3, s9;
	s6 =	sadd.s32 @!p0 $0x88, s6;
	s7 =	simm.s32 @p2 $0x1082  }
0x22: {  	[simem:s7], [sflag:s8] =	dma.local @!p0 [hbm:s6], $0xF7A  }
0x23: {  	s9 =	sor.u32 $0xD0000000, s2;
	s6 =	simm.s32 $0x108;
	_ =	swait.ge @!p0 [sflag:s8], $0x0  }
0x24: {  	s3 =	sadd.s32 $0x88, s3;
	s6 =	simm.s32 @!p1 $0x1082;
	[sflag:s4] =	ssyncset.s32 $0xFFFFF086  }
0x25: {  	[simem:s6], [sflag:s4] =	dma.local [hbm:s3], $0xF7A  }
0x26: {  	[smem:$0x3F9C] =	sst s1;
	(tag) =	ssettag s2;
	_ =	strace s9  }
0x27: {  	s1 =	sld [smem:$0x3FAC]  }
0x28: {  	s2 =	sld [smem:$0x3FAD]  }
0x29: {  	s4 =	sld [smem:$0x3FAF]  }
0x2a: {  	p0 =	seq.s32 s5, $0x0;
	s5 =	sld [smem:$0x3FB0]  }
0x2b: {  	s6 =	sld [smem:$0x3FB1]  }
0x2c: {  	s7 =	sld [smem:$0x3FB2]  }
0x2d: {  	s3 =	simm.s32 $0x108;
	s8 =	sld [smem:$0x3FB3]  }
0x2e: {  	s3 =	simm.s32 @!p0 $0x1082;
	s9 =	sld [smem:$0x3FB4]  }
0x2f: {  	lr =	sadd.s32 s0, s3;
	s0 =	sld [smem:$0x3FAB]  }
0x30: {  	s3 =	sld [smem:$0x3FAE]  }
0x31: {  	[smem:$0x3FB7] =	sst s10  }
0x32: {  	s10 =	sld [smem:$0x3FB5];
	_ =	sdelay $0x3  }
0x33: {  	p0 =	seq.s32 s10, $0x1;
	s10 =	sld [smem:$0x3FB7];
	_ =	sdelay $0x3  }
0x34: {  	[smem:$0x3FB7] =	sst s10  }
0x35: {  	s10 =	sld [smem:$0x3FB6];
	_ =	sdelay $0x3  }
0x36: {  	p1 =	seq.s32 s10, $0x1;
	s10 =	sld [smem:$0x3FB7];
	_ =	sdelay $0x3  }
0x37: {  	[smem:$0x3FB7] =	sst s10  }
0x38: {  	s10 =	sld [smem:$0x3FB8]  }
0x39: {  	_ = 	snop;
	(pc) =	sbr.ind lr, $3  }
0x3a: {  	_ = 	snop  }
0x3b: {  	_ = 	snop  }
0x3c: {  	p2 =	seq.s32 s10, $0x1;
	s10 =	sld [smem:$0x3FB7]  }
0x3d: {  	_ =	shalt  }
0x3e: {  	_ =	shalt  }
0x3f: {  	_ =	shalt  }
0x40: {  	_ =	shalt  }
0x41: {  	_ =	shalt  }
0x42: {  	_ =	shalt  }
0x43: {  	_ =	shalt  }
0x44: {  	_ =	shalt  }
0x45: {  	_ =	shalt  }
0x46: {  	_ =	shalt  }
0x47: {  	_ =	shalt  }
0x48: {  	_ =	shalt  }
0x49: {  	_ =	shalt  }
0x4a: {  	_ =	shalt  }
0x4b: {  	_ =	shalt  }
0x4c: {  	_ =	shalt  }
0x4d: {  	_ =	shalt  }
0x4e: {  	_ =	shalt  }
0x4f: {  	_ =	shalt  }
0x50: {  	_ =	shalt  }
0x51: {  	_ =	shalt  }
0x52: {  	_ =	shalt  }
0x53: {  	_ =	shalt  }
0x54: {  	_ =	shalt  }
0x55: {  	_ =	shalt  }
0x56: {  	_ =	shalt  }
0x57: {  	_ =	shalt  }
0x58: {  	_ =	shalt  }
0x59: {  	_ =	shalt  }
0x5a: {  	_ =	shalt  }
0x5b: {  	_ =	shalt  }
0x5c: {  	_ =	shalt  }
0x5d: {  	_ =	shalt  }
0x5e: {  	_ =	shalt  }
0x5f: {  	_ =	shalt  }
0x60: {  	_ =	shalt  }
0x61: {  	_ =	shalt  }
0x62: {  	_ =	shalt  }
0x63: {  	_ =	shalt  }
0x64: {  	_ =	shalt  }
0x65: {  	_ =	shalt  }
0x66: {  	_ =	shalt  }
0x67: {  	_ =	shalt  }
0x68: {  	_ =	shalt  }
0x69: {  	_ =	shalt  }
0x6a: {  	_ =	shalt  }
0x6b: {  	_ =	shalt  }
0x6c: {  	_ =	shalt  }
0x6d: {  	_ =	shalt  }
0x6e: {  	_ =	shalt  }
0x6f: {  	_ =	shalt  }
0x70: {  	_ =	shalt  }
0x71: {  	_ =	shalt  }
0x72: {  	_ =	shalt  }
0x73: {  	_ =	shalt  }
0x74: {  	_ =	shalt  }
0x75: {  	_ =	shalt  }
0x76: {  	_ =	shalt  }
0x77: {  	_ =	shalt  }
0x78: {  	_ =	shalt  }
0x79: {  	_ =	shalt  }
0x7a: {  	_ =	shalt  }
0x7b: {  	_ =	shalt  }
0x7c: {  	_ =	shalt  }
0x7d: {  	_ =	shalt  }
0x7e: {  	_ =	shalt  }
0x7f: {  	_ =	shalt  }
0x80: {  	_ =	shalt  }
0x81: {  	_ =	shalt  }
0x82: {  	_ =	shalt  }
0x83: {  	_ =	shalt  }
0x84: {  	_ =	shalt  }
0x85: {  	_ =	shalt  }
0x86: {  	_ =	shalt  }
0x87: {  	_ =	shalt  }
.Lfunc_end0:
.L_simem_size_0:
called_computation_lowered:
.L_overlay_start_0:
0x88: {  	s2 =	sld [smem:$0x3FD9]  }
0x89: {  	s3 =	sld [smem:$0x3FFE];
	_ =	sdelay $0x1  }
0x8a: {  	s1 =	srdreg.scid  }
0x8b: {  	s0 =	sand.u32 $0x1, s1  }
0x8c: {  	s14 =	sshll.u32 s0, $0xA;
	s2 =	sadd.s32 s3, s2  }
0x8d: {  	s2 =	sadd.s32 s2, s14  }
0x8e: {  	[smem:$0x3FC3] =	sst s2  }
0x8f: {  	_ = 	snop  }
0x90: {  	s2 =	sld [smem:$0x3FD0]  }
0x91: {  	s15 =	sld [smem:$0x3FC7]  }
0x92: {  	s4 =	sld [smem:$0x3FC6]  }
0x93: {  	s6 =	simm.s32 $0xA;
	s7 =	simm.s32 $0x10;
	s5 =	sld [smem:$0x3FC5]  }
0x94: {  	[smem:s7], [sflag:s6] =	dma.local [hbm:s2], $0x1  }
0x95: {  	_ =	swait.eq [sflag:s6], $0x1  }
0x96: {  	[sflag:s6] =	ssyncset.done $0x0  }
0x97: {  	s16 =	sld [smem:$0x10];
	[sflag:s6] =	ssyncadd.s32 $0xFFFFFFFF  }
0x98: {  	s17 =	sld [smem:$0x11];
	(tm) =	ssettm $0x1  }
0x99: {  	s18 =	sld [smem:$0x3FFB];
	_ =	sdelay $0x3  }
0x9a: {  	_ =	strace s18  }
0x9b: {  	s7 =	sld [smem:$0x3FFC];
	_ =	sdelay $0x3  }
0x9c: {  	_ =	strace s7  }
0x9d: {  	s7 =	sld [smem:$0x3FFD];
	_ =	sdelay $0x3  }
0x9e: {  	_ =	strace s7  }
0x9f: {  	_ =	strace $0x8FFFFFFF  }
0xa0: {  	s19 =	sld [smem:$0x3FDB];
	_ =	sdelay $0x1  }
0xa1: {  	s8 =	simm.s32 $_scs_section_size  }
0xa2: {  	s9 =	simm.s32 $_size__tile_overlayer_lowered;
	s10 =	simm.s32 $_tile_overlayer_lowered  }
0xa3: {  	s22 =	simm.s32 $0x1BFF;
	s21 =	sshll.u32 s10, $0x1;
	s7 =	sadd.s32 s8, s19  }
0xa4: {  	s11 =	simm.s32 $0x0;
	s20 =	sshll.u32 s9, $0x1;
	s9 =	sadd.s32 s21, s7  }
0xa5: {  	[timem:s11], [sflag:s22] =	dma.local [hbm:s9], s20  }
0xa6: {  	_ =	swait.ge [sflag:s22], s20  }
0xa7: {  	s8 =	ssub.s32 $0x0, s20;
	[sflag:s22] =	ssyncset.done $0x0  }
0xa8: {  	[sflag:s22] =	ssyncadd.s32 s8;
	_ =	sdelay $0x1  }
0xa9: {  	s23 =	simm.s32 $0x1B8B  }
0xaa: {  	_ =	swait.ge [sflag:s23], $0x1  }
0xab: {  	[sflag:s23] =	ssyncset.done $0x0  }
0xac: {  	s25 =	simm.s32 $0x1B8E;
	s24 =	sld [smem:$0x3FFE];
	[sflag:s23] =	ssyncadd.s32 $0xFFFFFFFF  }
0xad: {  	s26 =	simm.s32 $execute0_lowered;
	[smem:$0x3FD2] =	sst s25  }
0xae: {  	s9 =	sshll.u32 s26, $0x1;
	_ =	strace $0x80000046;
	[dreg:$0x1] =	wrdreg $0xFFFFFFFF  }
0xaf: {  	s28 =	simm.s32 $_size_execute0_lowered;
	s7 =	sadd.s32 s7, s9;
	[dreg:$0x0] =	wrdreg $0x0  }
0xb0: {  	s9 =	sshll.u32 s28, $0x1;
	[dreg:$0x2] =	wrdreg s7  }
0xb1: {  	[dreg:$0x3] =	wrdreg s9  }
0xb2: {  	[dreg:$0x4] =	wrdreg $0xC0  }
0xb3: {  	_ =	task [dreg:s11], $0x5FFFF  }
0xb4: {  	[dreg:$0x1] =	wrdreg $0xFFFFFFFF  }
0xb5: {  	[dreg:$0x0] =	wrdreg $0x60  }
0xb6: {  	[dreg:$0x2] =	wrdreg s15  }
0xb7: {  	[dreg:$0x3] =	wrdreg s5  }
0xb8: {  	[dreg:$0x4] =	wrdreg s4  }
0xb9: {  	[dreg:$0x5] =	wrdreg s24  }
0xba: {  	[dreg:$0x6] =	wrdreg s16  }
0xbb: {  	[dreg:$0x7] =	wrdreg s17  }
0xbc: {  	[dreg:$0x8] =	wrdreg $0xD0000  }
0xbd: {  	[dreg:$0x9] =	wrdreg $0x9  }
0xbe: {  	_ =	task.clear_ibuf [dreg:s11], $0xAFFFF;
	_ =	strace $0x90000046  }
0xbf: {  	s29 =	simm.s32 $0x9;
	_ =	strace $0x80000048  }
0xc0: {  	_ =	swait.ge [sflag:s29], $0x1  }
0xc1: {  	[sflag:s29] =	ssyncadd.s32 $0xFFFFFFFF  }
0xc2: {  	_ =	strace $0x90000048  }
0xc3: {  	_ =	sfence  }
0xc4: {  	s30 =	sld [smem:$0x0];
	_ =	sdelay $0x2  }
0xc5: {  	s31 =	sshll.u32 s1, $0xD;
	s1 =	sshrl.u32 s1, $0x2  }
0xc6: {  	s3 =	sand.u32 $0x4000, s31;
	s1 =	sadd.s32 s1, s30  }
0xc7: {  	s0 =	sor.u32 s3, s0;
	s1 =	sshll.u32 s1, $0x11  }
0xc8: {  	s0 =	sor.u32 s1, s0  }
0xc9: {  	s0 =	sadd.s32 $0x8F2B, s0  }
0xca: {  	[sflag:s0] =	ssyncadd.remote.s32 $0x1  }
0xcb: {  	_ =	sfence.sel $0xFFFF  }
0xcc: {  	[dreg:$0x0] =	wrdreg $0xFFFFFFFF;
	(pc) =	sbr.abs _section_cstart, $3  }
0xcd: {  	[dreg:$0x1] =	wrdreg $0xFFFFFFFF  }
0xce: {  	_ =	task.clear_ibuf [dreg:s11], $0x2FFFF;
	_ =	strace $0x9FFFFFFF  }
0xcf: {  	(tm) =	ssettm $0x7FFFFFFF  }
tec
execute0_lowered:
.L_overlay_start_1:
0x0: {  	(tag) =	ssettag $0x1  }
0x1: {  	s2 =	rddreg [dreg:$0x2]  }
0x2: {  	s3 =	rddreg [dreg:$0x3]  }
0x3: {  	s14 =	rddreg [dreg:$0x4];
	s17 =	stileid.u32  }
0x4: {  	s4 =	srdreg.scid;
	s24 =	smul.u32 $0xC8, s17  }
0x5: {  	s15 =	rddreg [dreg:$0x5];
	s28 =	simm.s32 $0x3480;
	s20 =	smul.u32 $0x64000, s17  }
0x6: {  	s29 =	simm.s32 $0x0;
	s16 =	sand.u32 $0x1, s4;
	s21 =	smul.u32 $0x64, s17  }
0x7: {  	s5 =	sshll.u32 s17, $0x1;
	s4 =	rddreg [dreg:$0x6];
	s30 =	smul.u32 $0x32000, s17  }
0x8: {  	p0 =	sne.s32 s17, $0x0;
	s6 =	sor.u32 s16, s5;
	s12 =	smul.u32 $0x64, s16  }
0x9: {  	s5 =	simm.s32 $0x0;
	s9 =	ssub.s32 $0x2, s16;
	s7 =	smul.u32 $0x680, s6  }
0xa: {  	s18 =	sadd.s32 $0x2000, s4;
	s19 =	sadd.s32 $0x6000, s4;
	s8 =	smul.u32 $0x380, s6  }
0xb: {  	s17 =	sshrl.u32 @!p0 s4, $0x3;
	[smem:$0x7FF] =	sst s5;
	s23 =	smul.u32 $0x32000, s6  }
0xc: {  	s10 =	sshrl.u32 s9, $0x1;
	s11 =	smul.u32 $0x19000, s6;
	s31 =	sadd.s32 s30, s15  }
0xd: {  	s18 =	sshrl.u32 @!p0 s18, $0x3;
	s22 =	ssub.s32 s9, s10;
	s7 =	sadd.s32 s7, s3  }
0xe: {  	s3 =	sadd.s32 s8, s3;
	s8 =	smax.u32 s22, $0x1;
	s22 =	smul.u32 $0x32, s16  }
0xf: {  	s19 =	sshrl.u32 @!p0 s19, $0x3;
	s25 =	sadd.s32 s14, s23;
	s23 =	smul.u32 $0x32000, s16  }
0x10: {  	_ =	strace $0x80000047;
	s13 =	sadd.s32 s15, s11;
	s16 =	smul.u32 $0x19000, s16  }
0x11: {  	s6 =	sadd.s32 $0xE00, s7;
	s7 =	sadd.s32 $0xDE00, s3;
	s9 =	sadd.s32 $0x31000, s25  }
0x12: {  	s10 =	sadd.s32 $0x31800, s25;
	s3 =	sadd.s32 s12, s24;
	s11 =	sadd.s32 $0x18000, s13  }
0x13: {  	s12 =	sadd.s32 $0x18800, s13;
	s24 =	simm.s32 $0x5000;
	s25 =	simm.s32 $0x9000  }
0x14: {  	s3 =	sshll.u32 s3, $0xB;
	s26 =	sadd.s32 s22, s21;
	s16 =	sadd.s32 s16, s31  }
0x15: {  	s21 =	simm.s32 $0x1;
	s22 =	simm.s32 $0x2;
	s3 =	sadd.s32 s3, s14  }
0x16: {  	s14 =	sadd.s32 s20, s14;
	s13 =	sadd.s32 $0x800, s3;
	s3 =	sshll.u32 s26, $0xB  }
0x17: {  	s20 =	simm.s32 $0x3400;
	s14 =	sadd.s32 s23, s14;
	s3 =	sadd.s32 s3, s15  }
0x18: {  	s23 =	simm.s32 $0x80;
	s26 =	simm.s32 $0x3;
	s15 =	sadd.s32 $0x800, s3  }
.LBB2_1:
0x19: {  	s3 =	simm.s32 @!p0 $0x1C03;
	s30 =	simm.s32 @!p0 $0x3  }
0x1a: {  	[spmem:s17], [sflag:s3] =	dma.local @!p0 [hbm:s2], $0x400  }
0x1b: {  	_ =	swait.ge @!p0 [sflag:s30], $0x400  }
0x1c: {  	[sflag:s30] =	ssyncset.done @!p0 $0x0  }
0x1d: {  	[sflag:s30] =	ssyncadd.s32 @!p0 $0xFFFFFC00  }
0x1e: {  	s0 =	rddreg [dreg:$0x0]  }
0x1f: {  	[spmem:s18], [sflag:s3] =	dma.local @!p0 [hbm:s0], $0x800  }
0x20: {  	_ =	swait.ge @!p0 [sflag:s30], $0x800  }
0x21: {  	[sflag:s30] =	ssyncset.done @!p0 $0x0  }
0x22: {  	[sflag:s30] =	ssyncadd.s32 @!p0 $0xFFFFF800  }
0x23: {  	s0 =	rddreg [dreg:$0x1]  }
0x24: {  	[spmem:s19], [sflag:s3] =	dma.local @!p0 [hbm:s0], $0x400  }
0x25: {  	_ =	swait.ge @!p0 [sflag:s30], $0x400  }
0x26: {  	[sflag:s30] =	ssyncset.done @!p0 $0x0  }
0x27: {  	[sflag:s30] =	ssyncadd.s32 @!p0 $0xFFFFFC00  }
0x28: {  	[tilespmem:s5], [sflag:$0x1] =	stream.linear.gather [hbm4b:s6+s5], $0x3200, $0x38;
	[tilespmem:$0xD800] =	vst v63  }
0x29: {  	_ = 	snop  }
0x2a: {  	[tilespmem:s20], [sflag:$0x2] =	stream.linear.gather [hbm4b:s7+s5], $0x1900, $0x38;
	[tilespmem:$0xD800] =	vst v63  }
0x2b: {  	_ =	swait.ge [sflag:s21], $0x3200  }
0x2c: {  	[sflag:s21] =	ssyncset.done $0x0  }
0x2d: {  	[sflag:s21] =	ssyncadd.s32 $0xFFFFCE00  }
0x2e: {  	_ =	swait.ge [sflag:s22], $0x1900  }
0x2f: {  	[sflag:s22] =	ssyncset.done $0x0  }
0x30: {  	[sflag:s22] =	ssyncadd.s32 $0xFFFFE700  }
0x31: {  	[bflag:$0x0] =	sbarrier.arrive $0xFFFF  }
0x32: {  	[tilespmem:s24], [sflag:$0x1] =	stream.indirect.gather [spmem:s4], $0x80, s5, s23, $0xb8;
	[tilespmem:$0xD800] =	vst v63  }
0x33: {  	_ = 	snop  }
0x34: {  	[tilespmem:s25], [sflag:$0x2] =	stream.indirect.gather [spmem:s4], $0x80, s23, s23, $0xb8;
	[tilespmem:$0xD800] =	vst v63  }
0x35: {  	_ =	swait.ge [sflag:s21], $0x4000  }
0x36: {  	[sflag:s21] =	ssyncset.done $0x0  }
0x37: {  	s1 =	sadd.s32 $0x0, s14;
	[sflag:s21] =	ssyncadd.s32 $0xFFFFC000  }
0x38: {  	[hbm4b:s1+s5] =	stream.linear.scatter [tilespmem:s24], [sflag:$0x3], $0x4000, $0x38;
	[tilespmem:$0xD800] =	vst v63  }
0x39: {  	_ =	swait.ge [sflag:s26], $0x4000  }
0x3a: {  	[sflag:s26] =	ssyncset.done $0x0  }
0x3b: {  	s0 =	simm.s32 $0x100;
	[sflag:s26] =	ssyncadd.s32 $0xFFFFC000  }
0x3c: {  	[tilespmem:s24], [sflag:$0x1] =	stream.indirect.gather [spmem:s4], $0x80, s0, s23, $0xb8;
	[tilespmem:$0xD800] =	vst v63  }
0x3d: {  	_ =	swait.ge [sflag:s22], $0x4000  }
0x3e: {  	[sflag:s22] =	ssyncset.done $0x0  }
0x3f: {  	s1 =	sadd.s32 $0x0, s13;
	[sflag:s22] =	ssyncadd.s32 $0xFFFFC000  }
0x40: {  	[hbm4b:s1+s5] =	stream.linear.scatter [tilespmem:s25], [sflag:$0x3], $0x4000, $0x38;
	[tilespmem:$0xD800] =	vst v63  }
0x41: {  	_ =	swait.ge [sflag:s26], $0x4000  }
0x42: {  	s31 =	simm.s32 $0x1000;
	[sflag:s26] =	ssyncset.done $0x0  }
0x43: {  	s3 =	simm.s32 $0x280;
	s30 =	simm.s32 $0x180;
	[sflag:s26] =	ssyncadd.s32 $0xFFFFC000  }
.LBB2_2:
0x44: {  	[tilespmem:s25], [sflag:$0x2] =	stream.indirect.gather [spmem:s4], $0x80, s30, s23, $0xb8;
	[tilespmem:$0xD800] =	vst v63  }
0x45: {  	s0 =	smov.u32 s31;
	s30 =	smov.u32 s3  }
0x46: {  	p1 =	sne.s32 s31, $0x30000;
	s31 =	sadd.s32 $0x1000, s31;
	_ =	swait.ge [sflag:s21], $0x4000  }
0x47: {  	[sflag:s21] =	ssyncset.done $0x0  }
0x48: {  	s1 =	sadd.s32 s0, s14;
	[sflag:s21] =	ssyncadd.s32 $0xFFFFC000  }
0x49: {  	[hbm4b:s1+s5] =	stream.linear.scatter [tilespmem:s24], [sflag:$0x3], $0x4000, $0x38;
	[tilespmem:$0xD800] =	vst v63  }
0x4a: {  	_ =	swait.ge [sflag:s26], $0x4000  }
0x4b: {  	[sflag:s26] =	ssyncset.done $0x0  }
0x4c: {  	s1 =	sadd.s32 $0xFFFFFF80, s3;
	[sflag:s26] =	ssyncadd.s32 $0xFFFFC000  }
0x4d: {  	[tilespmem:s24], [sflag:$0x1] =	stream.indirect.gather [spmem:s4], $0x80, s1, s23, $0xb8;
	[tilespmem:$0xD800] =	vst v63  }
0x4e: {  	_ =	swait.ge [sflag:s22], $0x4000  }
0x4f: {  	[sflag:s22] =	ssyncset.done $0x0  }
.Ltmp0:
0x50: {  	s0 =	sadd.s32 s0, s13;
	[sflag:s22] =	ssyncadd.s32 $0xFFFFC000;
	(pc) =	sbr.rel @p1 .LBB2_2-.Ltmp0, $4  }
0x51: {  	[hbm4b:s0+s5] =	stream.linear.scatter [tilespmem:s25], [sflag:$0x3], $0x4000, $0x38;
	[tilespmem:$0xD800] =	vst v63  }
0x52: {  	_ =	swait.ge [sflag:s26], $0x4000  }
0x53: {  	[sflag:s26] =	ssyncset.done $0x0  }
0x54: {  	s3 =	sadd.s32 $0x100, s3;
	[sflag:s26] =	ssyncadd.s32 $0xFFFFC000  }
0x55: {  	[tilespmem:s25], [sflag:$0x2] =	stream.indirect.gather [spmem:s4], $0x80, s30, s23, $0xb8;
	[tilespmem:$0xD800] =	vst v63  }
0x56: {  	_ =	swait.ge [sflag:s21], $0x4000  }
0x57: {  	[sflag:s21] =	ssyncset.done $0x0  }
0x58: {  	s0 =	simm.s32 $0x0;
	[sflag:s21] =	ssyncadd.s32 $0xFFFFC000  }
0x59: {  	[hbm4b:s9+s0] =	stream.linear.scatter [tilespmem:s24], [sflag:$0x3], $0x4000, $0x38;
	[tilespmem:$0xD800] =	vst v63  }
0x5a: {  	_ =	swait.ge [sflag:s26], $0x4000  }
0x5b: {  	[sflag:s26] =	ssyncset.done $0x0  }
0x5c: {  	[sflag:s26] =	ssyncadd.s32 $0xFFFFC000  }
0x5d: {  	_ =	swait.ge [sflag:s22], $0x4000  }
0x5e: {  	[sflag:s22] =	ssyncset.done $0x0  }
0x5f: {  	[sflag:s22] =	ssyncadd.s32 $0xFFFFC000  }
0x60: {  	[hbm4b:s10+s0] =	stream.linear.scatter [tilespmem:s25], [sflag:$0x3], $0x4000, $0x38;
	[tilespmem:$0xD800] =	vst v63  }
0x61: {  	_ =	swait.ge [sflag:s26], $0x4000  }
0x62: {  	[sflag:s26] =	ssyncset.done $0x0  }
0x63: {  	[sflag:s26] =	ssyncadd.s32 $0xFFFFC000  }
0x64: {  	[tilespmem:s24], [sflag:$0x1] =	stream.indirect.gather [spmem:s4], $0x80, s20, s23, $0xb8;
	[tilespmem:$0xD800] =	vst v63  }
0x65: {  	_ = 	snop  }
0x66: {  	[tilespmem:s25], [sflag:$0x2] =	stream.indirect.gather [spmem:s4], $0x80, s28, s23, $0xb8;
	[tilespmem:$0xD800] =	vst v63  }
0x67: {  	_ =	swait.ge [sflag:s21], $0x4000  }
0x68: {  	[sflag:s21] =	ssyncset.done $0x0  }
0x69: {  	s3 =	sadd.s32 $0x0, s16;
	[sflag:s21] =	ssyncadd.s32 $0xFFFFC000  }
0x6a: {  	[hbm4b:s3+s5] =	stream.linear.scatter [tilespmem:s24], [sflag:$0x3], $0x4000, $0x38;
	[tilespmem:$0xD800] =	vst v63  }
0x6b: {  	_ =	swait.ge [sflag:s26], $0x4000  }
0x6c: {  	[sflag:s26] =	ssyncset.done $0x0  }
0x6d: {  	s1 =	simm.s32 $0x3500;
	[sflag:s26] =	ssyncadd.s32 $0xFFFFC000  }
0x6e: {  	[tilespmem:s24], [sflag:$0x1] =	stream.indirect.gather [spmem:s4], $0x80, s1, s23, $0xb8;
	[tilespmem:$0xD800] =	vst v63  }
0x6f: {  	_ =	swait.ge [sflag:s22], $0x4000  }
0x70: {  	[sflag:s22] =	ssyncset.done $0x0  }
0x71: {  	s3 =	sadd.s32 $0x0, s15;
	[sflag:s22] =	ssyncadd.s32 $0xFFFFC000  }
0x72: {  	[hbm4b:s3+s5] =	stream.linear.scatter [tilespmem:s25], [sflag:$0x3], $0x4000, $0x38;
	[tilespmem:$0xD800] =	vst v63  }
0x73: {  	_ =	swait.ge [sflag:s26], $0x4000  }
0x74: {  	s30 =	simm.s32 $0x3580;
	[sflag:s26] =	ssyncset.done $0x0  }
0x75: {  	s31 =	simm.s32 $0x1000;
	s3 =	simm.s32 $0x3680;
	[sflag:s26] =	ssyncadd.s32 $0xFFFFC000  }
.LBB2_4:
0x76: {  	[tilespmem:s25], [sflag:$0x2] =	stream.indirect.gather [spmem:s4], $0x80, s30, s23, $0xb8;
	[tilespmem:$0xD800] =	vst v63  }
0x77: {  	s0 =	smov.u32 s31;
	s30 =	smov.u32 s3  }
0x78: {  	p1 =	sne.s32 s31, $0x17000;
	s31 =	sadd.s32 $0x1000, s31;
	_ =	swait.ge [sflag:s21], $0x4000  }
0x79: {  	[sflag:s21] =	ssyncset.done $0x0  }
0x7a: {  	s1 =	sadd.s32 s0, s16;
	[sflag:s21] =	ssyncadd.s32 $0xFFFFC000  }
0x7b: {  	[hbm4b:s1+s5] =	stream.linear.scatter [tilespmem:s24], [sflag:$0x3], $0x4000, $0x38;
	[tilespmem:$0xD800] =	vst v63  }
0x7c: {  	_ =	swait.ge [sflag:s26], $0x4000  }
0x7d: {  	[sflag:s26] =	ssyncset.done $0x0  }
0x7e: {  	s1 =	sadd.s32 $0xFFFFFF80, s3;
	[sflag:s26] =	ssyncadd.s32 $0xFFFFC000  }
0x7f: {  	[tilespmem:s24], [sflag:$0x1] =	stream.indirect.gather [spmem:s4], $0x80, s1, s23, $0xb8;
	[tilespmem:$0xD800] =	vst v63  }
0x80: {  	_ =	swait.ge [sflag:s22], $0x4000  }
0x81: {  	[sflag:s22] =	ssyncset.done $0x0  }
.Ltmp1:
0x82: {  	s0 =	sadd.s32 s0, s15;
	[sflag:s22] =	ssyncadd.s32 $0xFFFFC000;
	(pc) =	sbr.rel @p1 .LBB2_4-.Ltmp1, $4  }
0x83: {  	[hbm4b:s0+s5] =	stream.linear.scatter [tilespmem:s25], [sflag:$0x3], $0x4000, $0x38;
	[tilespmem:$0xD800] =	vst v63  }
0x84: {  	_ =	swait.ge [sflag:s26], $0x4000  }
0x85: {  	[sflag:s26] =	ssyncset.done $0x0  }
0x86: {  	s3 =	sadd.s32 $0x100, s3;
	[sflag:s26] =	ssyncadd.s32 $0xFFFFC000  }
0x87: {  	[tilespmem:s25], [sflag:$0x2] =	stream.indirect.gather [spmem:s4], $0x80, s30, s23, $0xb8;
	[tilespmem:$0xD800] =	vst v63  }
0x88: {  	_ =	swait.ge [sflag:s21], $0x4000  }
0x89: {  	[sflag:s21] =	ssyncset.done $0x0  }
0x8a: {  	[sflag:s21] =	ssyncadd.s32 $0xFFFFC000  }
0x8b: {  	[hbm4b:s11+s5] =	stream.linear.scatter [tilespmem:s24], [sflag:$0x3], $0x4000, $0x38;
	[tilespmem:$0xD800] =	vst v63  }
0x8c: {  	_ =	swait.ge [sflag:s26], $0x4000  }
0x8d: {  	[sflag:s26] =	ssyncset.done $0x0  }
0x8e: {  	[sflag:s26] =	ssyncadd.s32 $0xFFFFC000  }
0x8f: {  	s29 =	sadd.s32 $0x1, s29;
	_ =	swait.ge [sflag:s22], $0x4000  }
0x90: {  	p1 =	sne.s32 s29, s8;
	[sflag:s22] =	ssyncset.done $0x0  }
.Ltmp2:
0x91: {  	[sflag:s22] =	ssyncadd.s32 $0xFFFFC000;
	(pc) =	sbr.rel @p1 .LBB2_1-.Ltmp2, $4  }
0x92: {  	[hbm4b:s12+s5] =	stream.linear.scatter [tilespmem:s25], [sflag:$0x3], $0x4000, $0x38;
	[tilespmem:$0xD800] =	vst v63  }
0x93: {  	_ =	swait.ge [sflag:s26], $0x4000  }
0x94: {  	[sflag:s26] =	ssyncset.done $0x0  }
0x95: {  	[sflag:s26] =	ssyncadd.s32 $0xFFFFC000  }
0x96: {  	_ =	sfence.sel $0x180000  }
0x97: {  	[bflag:$0x0] =	sbarrier.arrive $0xFFFF  }
0x98: {  	_ =	strace $0x90000047  }
0x99: {  	[bflag:$0x2] =	sbarrier.arrive $0xFFFF  }
0x9a: {  	s0 =	rddreg [dreg:$0x7]  }
0x9b: {  	s0 =	sadd.s32 @!p0 $0x100000, s0  }
0x9c: {  	[sflag:s0] =	ssyncadd.tile.s32 @!p0 $0x1;
	_ =	shalt  }
.Lfunc_end2:
_tile_overlayer_lowered:
.L_overlay_start_2:
0x9d: {  	(tag) =	ssettag $0x2  }
0x9e: {  	s0 =	rddreg [dreg:$0x0];
	s2 =	stileid.u32  }
0x9f: {  	s1 =	rddreg [dreg:$0x1];
	p0 =	sne.s32 s2, $0x0  }
0xa0: {  	s3 =	rddreg [dreg:$0x2];
	[bflag:$0x3] =	sbarrier.arrive $0xFFFF;
	s2 =	simm.s32 @!p0 $0x1C03  }
0xa1: {  	[timem:s3], [sflag:s2] =	dma.local @!p0 [hbm:s0], s1  }
0xa2: {  	s0 =	simm.s32 @!p0 $0x3  }
0xa3: {  	_ =	swait.ge @!p0 [sflag:s0], s1  }
0xa4: {  	s1 =	ssub.s32 @!p0 $0x0, s1;
	[sflag:s0] =	ssyncset.done @!p0 $0x0  }
0xa5: {  	[sflag:s0] =	ssyncadd.s32 @!p0 s1  }
0xa6: {  	[bflag:$0x3] =	sbarrier.arrive $0xFFFF  }
0xa7: {  	_ =	shalt  }

</sc_bundles>
